<compile_context>
chip_gen: v7x
topology: tpu7x:2x2x1
jax: 0.10.2.dev20260603
libtpu: 0.0.44.dev20260713+nightly
codegen_flags: <defaults>
</compile_context>

<pallas_src>
import functools

import jax
import jax.numpy as jnp
from jax import lax
from jax.experimental import pallas as pl
from jax.experimental.pallas import tpu as pltpu
from jax.experimental.pallas import tpu_sc as plsc

N = 8192
K = 1024
D = 32
ROWS_PER_TILE = 1024
N_SC = 7168
N_TC = N - N_SC
GRID_A = N_SC // ROWS_PER_TILE
GRID_B = N_TC // ROWS_PER_TILE


def _dist_argmin(z_blk, emb_blk):
    z2 = jnp.sum(z_blk * z_blk, axis=1, keepdims=True)
    e2 = jnp.sum(emb_blk * emb_blk, axis=1)[None, :]
    prod = lax.dot_general(z_blk, emb_blk,
                           (((1,), (1,)), ((), ())),
                           preferred_element_type=jnp.float32)
    dist = z2 + e2 - 2.0 * prod
    minv = jnp.min(dist, axis=1)
    cols = lax.broadcasted_iota(jnp.int32, dist.shape, 1)
    idx = jnp.min(jnp.where(dist == minv[:, None], cols, K), axis=1)
    return idx.astype(jnp.int32), minv, cols


def _argmin_body(z_ref, emb_ref, idx_ref, minsum_ref):
    i = pl.program_id(0)
    idx, minv, _ = _dist_argmin(z_ref[...], emb_ref[...])
    idx_ref[...] = idx

    @pl.when(i == 0)
    def _init():
        minsum_ref[...] = jnp.zeros_like(minsum_ref)

    minsum_ref[...] = minsum_ref[...] + jnp.sum(minv)


def _argmin_gather_body(z_ref, emb_ref, idx_ref, minsum_ref, zq_ref):
    i = pl.program_id(0)
    emb_blk = emb_ref[...]
    idx, minv, cols = _dist_argmin(z_ref[...], emb_blk)
    idx_ref[...] = idx
    onehot = (cols == idx[:, None]).astype(jnp.float32)
    emb_hi = lax.convert_element_type(
        lax.convert_element_type(emb_blk, jnp.bfloat16), jnp.float32)
    emb_lo = emb_blk - emb_hi
    dn = (((1,), (0,)), ((), ()))
    zq_ref[...] = (
        lax.dot_general(onehot, emb_hi, dn,
                        preferred_element_type=jnp.float32)
        + lax.dot_general(onehot, emb_lo, dn,
                          preferred_element_type=jnp.float32))

    @pl.when(i == 0)
    def _init():
        minsum_ref[...] = jnp.zeros_like(minsum_ref)

    minsum_ref[...] = minsum_ref[...] + jnp.sum(minv)


def _argmin_tc_a(z, emb):
    return pl.pallas_call(
        _argmin_body,
        grid=(GRID_A,),
        in_specs=[
            pl.BlockSpec((ROWS_PER_TILE, D), lambda i: (i, 0)),
            pl.BlockSpec((K, D), lambda i: (0, 0)),
        ],
        out_specs=[
            pl.BlockSpec((ROWS_PER_TILE,), lambda i: (i,)),
            pl.BlockSpec((1, 1), lambda i: (0, 0)),
        ],
        out_shape=[
            jax.ShapeDtypeStruct((N_SC,), jnp.int32),
            jax.ShapeDtypeStruct((1, 1), jnp.float32),
        ],
    )(z, emb)


def _argmin_tc_b(z, emb):
    off = GRID_A
    return pl.pallas_call(
        _argmin_gather_body,
        grid=(GRID_B,),
        in_specs=[
            pl.BlockSpec((ROWS_PER_TILE, D), lambda i: (i + off, 0)),
            pl.BlockSpec((K, D), lambda i: (0, 0)),
        ],
        out_specs=[
            pl.BlockSpec((ROWS_PER_TILE,), lambda i: (i,)),
            pl.BlockSpec((1, 1), lambda i: (0, 0)),
            pl.BlockSpec((ROWS_PER_TILE, D), lambda i: (i, 0)),
        ],
        out_shape=[
            jax.ShapeDtypeStruct((N_TC,), jnp.int32),
            jax.ShapeDtypeStruct((1, 1), jnp.float32),
            jax.ShapeDtypeStruct((N_TC, D), jnp.float32),
        ],
    )(z, emb)


def _sc_gather(emb, idx):
    n_rows = idx.shape[0]
    info = plsc.get_sparse_core_info()
    nw = info.num_cores * info.num_subcores
    lanes = info.num_lanes
    rows_per_w = n_rows // nw
    mesh = plsc.VectorSubcoreMesh(core_axis_name="c", subcore_axis_name="s")

    @functools.partial(
        pl.kernel,
        out_type=jax.ShapeDtypeStruct((n_rows, D), jnp.float32),
        mesh=mesh,
        compiler_params=pltpu.CompilerParams(needs_layout_passes=False),
        scratch_types=[
            pltpu.VMEM((rows_per_w,), jnp.int32),
            pltpu.VMEM((K * D,), jnp.float32),
            pltpu.VMEM((rows_per_w, D), jnp.float32),
            pltpu.SemaphoreType.DMA,
        ],
    )
    def gather_kernel(emb_hbm, idx_hbm, out_hbm, idx_v, emb_v, rows_v, sem):
        wid = lax.axis_index("s") * info.num_cores + lax.axis_index("c")
        base = wid * rows_per_w
        cp = pltpu.async_copy(emb_hbm, emb_v, sem)
        pltpu.sync_copy(idx_hbm.at[pl.ds(base, rows_per_w)], idx_v)
        cp.wait()
        dcol = lax.iota(jnp.int32, lanes)

        def body(r, carry):
            rvec = jnp.full((lanes,), r, jnp.int32)
            src = (plsc.load_gather(idx_v, [rvec]) << 5) + dcol
            rows_v[r, pl.ds(0, lanes)] = plsc.load_gather(emb_v, [src])
            rows_v[r, pl.ds(lanes, lanes)] = plsc.load_gather(
                emb_v, [src + lanes])
            return carry

        lax.fori_loop(0, rows_per_w, body, 0, unroll=8)
        pltpu.sync_copy(rows_v, out_hbm.at[pl.ds(base, rows_per_w)])

    return gather_kernel(emb.reshape(-1), idx)


def kernel(z, emb):
    idx_a, ms_a = _argmin_tc_a(z, emb)
    zq_a = _sc_gather(emb, idx_a)
    idx_b, ms_b, zq_b = _argmin_tc_b(z, emb)
    z_q = jnp.concatenate([zq_a, zq_b], axis=0)
    idx = jnp.concatenate([idx_a, idx_b], axis=0)
    vq_loss = (ms_a[0, 0] + ms_b[0, 0]) * (1.25 / (N * D))
    return (z_q, idx, vq_loss)

# --- scband reference (transcript-rebuilt; emitter-appended) ---
"""Pipeline reference for scband-vector-quantizer-17102559772722 (READ-ONLY COPY).

The authoritative reference and input builder live on the scoring server;
editing this copy changes nothing except your own understanding.
"""

import jax, jax.numpy as jnp
import numpy as np


def setup_inputs(seed: int = 0) -> dict:
    key = jax.random.key(seed)
    k1, k2 = jax.random.split(key)
    z = jax.random.normal(k1, (8192, 32), dtype=jnp.float32)
    # learned codebook: nn.Embedding(1024, 32) initialized N(0, 0.02)
    emb = jax.random.normal(k2, (1024, 32), dtype=jnp.float32) * 0.02
    return {"z": z, "emb": emb}


def reference(z, emb):
    # distances[i, j] = sum_d (z[i, d] - emb[j, d])^2, computed without
    # materializing the [N, K, D] broadcast tensor (same math).
    z2 = jnp.sum(z * z, axis=1, keepdims=True)          # [N, 1]
    e2 = jnp.sum(emb * emb, axis=1)[None, :]            # [1, K]
    distances = z2 + e2 - 2.0 * (z @ emb.T)             # [N, K]
    nearest_idx = jnp.argmin(distances, axis=1)         # [N]
    z_q = jnp.take(emb, nearest_idx, axis=0)            # [N, D] embedding gather
    loss_codebook = jnp.mean((z_q - jax.lax.stop_gradient(z)) ** 2)
    loss_commit = jnp.mean((jax.lax.stop_gradient(z_q) - z) ** 2)
    vq_loss = loss_codebook + 0.25 * loss_commit
    # straight-through estimator
    z_q_st = z + jax.lax.stop_gradient(z_q - z)
    return (z_q_st, nearest_idx, vq_loss)

if __name__ == "__main__":
    import jax
    _d = setup_inputs()
    print(jax.jit(kernel)(*tuple(_d.values())))

</pallas_src>

<mosaic_0001>
#map = affine_map<(d0, d1) -> (0)>
#map1 = affine_map<(d0, d1) -> (0, 0)>
module attributes {stable_mosaic.version = 14 : i64} {
  func.func @gather_kernel(%arg0: i32, %arg1: i32, %arg2: memref<32768xf32, #tpu.memory_space<hbm>>, %arg3: memref<7168xi32, #tpu.memory_space<hbm>>, %arg4: memref<7168x32xf32, #tpu.memory_space<hbm>>, %arg5: memref<224xi32, #tpu.memory_space<vmem>>, %arg6: memref<32768xf32, #tpu.memory_space<vmem>>, %arg7: memref<224x32xf32, #tpu.memory_space<vmem>>, %arg8: memref<!tpu.dma_semaphore, #tpu.memory_space<semaphore_mem>>) attributes {dimension_semantics = [#tpu.dimension_semantics<core_parallel>, #tpu.dimension_semantics<subcore_parallel>], iteration_bounds = array<i64: 2, 16>, scalar_prefetch = 0 : i64, scratch_operands = 4 : i64, tpu.core_type = #tpu.core_type<sc_vector_subcore>, window_params = [{transform_indices = #map}, {transform_indices = #map}, {transform_indices = #map1}]} {
    %mul3A = arith.constant 2 : i32
    %mul3A_0 = arith.muli %arg1, %mul3A : i32
    %add3A = arith.addi %mul3A_0, %arg0 : i32
    %mul3A_1 = arith.constant 224 : i32
    %mul3A_2 = arith.muli %add3A, %mul3A_1 : i32
    tpu.enqueue_dma source(%arg2 : memref<32768xf32, #tpu.memory_space<hbm>>) target(%arg6 : memref<32768xf32, #tpu.memory_space<vmem>>) target_semaphore(%arg8 : memref<!tpu.dma_semaphore, #tpu.memory_space<semaphore_mem>>)
    "tpu.region"() ({
      %run_scoped3A = tpu.sem_alloc : memref<!tpu.dma_semaphore, #tpu.memory_space<semaphore_mem>>
      %dma_start3A = tpu.memref_slice %arg3[%mul3A_2] : memref<7168xi32, #tpu.memory_space<hbm>> -> memref<224xi32, #tpu.memory_space<hbm>>
      %dma_start3A_8 = tpu.memref_slice %arg3[%mul3A_2] : memref<7168xi32, #tpu.memory_space<hbm>> -> memref<224xi32, #tpu.memory_space<hbm>>
      tpu.enqueue_dma source(%dma_start3A_8 : memref<224xi32, #tpu.memory_space<hbm>>) target(%arg5 : memref<224xi32, #tpu.memory_space<vmem>>) target_semaphore(%run_scoped3A : memref<!tpu.dma_semaphore, #tpu.memory_space<semaphore_mem>>)
      %dma_wait3A = tpu.memref_slice %arg3[%mul3A_2] : memref<7168xi32, #tpu.memory_space<hbm>> -> memref<224xi32, #tpu.memory_space<hbm>>
      %dma_wait3A_9 = tpu.memref_slice %arg3[%mul3A_2] : memref<7168xi32, #tpu.memory_space<hbm>> -> memref<224xi32, #tpu.memory_space<hbm>>
      tpu.wait_dma2 semaphore(%run_scoped3A : memref<!tpu.dma_semaphore, #tpu.memory_space<semaphore_mem>>) src(%dma_wait3A_9 : memref<224xi32, #tpu.memory_space<hbm>>) dst(%arg5 : memref<224xi32, #tpu.memory_space<vmem>>)
      tpu.yield
    }) : () -> ()
    tpu.wait_dma2 semaphore(%arg8 : memref<!tpu.dma_semaphore, #tpu.memory_space<semaphore_mem>>) src(%arg2 : memref<32768xf32, #tpu.memory_space<hbm>>) dst(%arg6 : memref<32768xf32, #tpu.memory_space<vmem>>)
    %iota3A = tpu.iota {dimensions = array<i32: 0>} : vector<16xi32>
    %scan3A = arith.constant 0 : i32
    %scan3A_3 = arith.constant 0 : i32
    %scan3A_4 = arith.constant 224 : i32
    %scan3A_5 = arith.addi %scan3A_3, %scan3A_4 : i32
    %scan3A_6 = arith.constant 8 : i32
    scf.for %scan3A_8 = %scan3A_3 to %scan3A_5 step %scan3A_6  : i32 {
      %broadcast_in_dim3A = vector.broadcast %scan3A_8 : i32 to vector<16xi32>
      %gather3A = tpu.vector_load_idx %arg5[%broadcast_in_dim3A] : memref<224xi32, #tpu.memory_space<vmem>>[vector<16xi32>], vector<16xi32>,
      %shift_left3A = arith.constant 5 : i32
      %shift_left3A_9 = vector.broadcast %shift_left3A : i32 to vector<16xi32>
      %shift_left3A_10 = arith.shli %gather3A, %shift_left3A_9 : vector<16xi32>
      %add3A_11 = arith.addi %shift_left3A_10, %iota3A : vector<16xi32>
      %gather3A_12 = tpu.vector_load_idx %arg6[%add3A_11] : memref<32768xf32, #tpu.memory_space<vmem>>[vector<16xi32>], vector<16xf32>,
      %swap3A = arith.index_cast %scan3A_8 : i32 to index
      %swap3A_13 = arith.constant 0 : index
      %swap3A_14 = tpu.vector_load %arg7[%swap3A, %swap3A_13] {strides = array<i32>} : memref<224x32xf32, #tpu.memory_space<vmem>>, vector<16xf32>,
      tpu.vector_store %arg7[%swap3A, %swap3A_13], %gather3A_12 {strides = array<i32>} : memref<224x32xf32, #tpu.memory_space<vmem>>, vector<16xf32>,
      %add3A_15 = arith.constant 16 : i32
      %add3A_16 = vector.broadcast %add3A_15 : i32 to vector<16xi32>
      %add3A_17 = arith.addi %add3A_11, %add3A_16 : vector<16xi32>
      %gather3A_18 = tpu.vector_load_idx %arg6[%add3A_17] : memref<32768xf32, #tpu.memory_space<vmem>>[vector<16xi32>], vector<16xf32>,
      %swap3A_19 = arith.index_cast %scan3A_8 : i32 to index
      %swap3A_20 = arith.constant 16 : index
      %swap3A_21 = tpu.vector_load %arg7[%swap3A_19, %swap3A_20] {strides = array<i32>} : memref<224x32xf32, #tpu.memory_space<vmem>>, vector<16xf32>,
      tpu.vector_store %arg7[%swap3A_19, %swap3A_20], %gather3A_18 {strides = array<i32>} : memref<224x32xf32, #tpu.memory_space<vmem>>, vector<16xf32>,
      %scan3A_22 = arith.constant 1 : i32
      %scan3A_23 = arith.addi %scan3A_8, %scan3A_22 : i32
      %broadcast_in_dim3A_24 = vector.broadcast %scan3A_23 : i32 to vector<16xi32>
      %gather3A_25 = tpu.vector_load_idx %arg5[%broadcast_in_dim3A_24] : memref<224xi32, #tpu.memory_space<vmem>>[vector<16xi32>], vector<16xi32>,
      %shift_left3A_26 = arith.constant 5 : i32
      %shift_left3A_27 = vector.broadcast %shift_left3A_26 : i32 to vector<16xi32>
      %shift_left3A_28 = arith.shli %gather3A_25, %shift_left3A_27 : vector<16xi32>
      %add3A_29 = arith.addi %shift_left3A_28, %iota3A : vector<16xi32>
      %gather3A_30 = tpu.vector_load_idx %arg6[%add3A_29] : memref<32768xf32, #tpu.memory_space<vmem>>[vector<16xi32>], vector<16xf32>,
      %swap3A_31 = arith.index_cast %scan3A_23 : i32 to index
      %swap3A_32 = arith.constant 0 : index
      %swap3A_33 = tpu.vector_load %arg7[%swap3A_31, %swap3A_32] {strides = array<i32>} : memref<224x32xf32, #tpu.memory_space<vmem>>, vector<16xf32>,
      tpu.vector_store %arg7[%swap3A_31, %swap3A_32], %gather3A_30 {strides = array<i32>} : memref<224x32xf32, #tpu.memory_space<vmem>>, vector<16xf32>,
      %add3A_34 = arith.constant 16 : i32
      %add3A_35 = vector.broadcast %add3A_34 : i32 to vector<16xi32>
      %add3A_36 = arith.addi %add3A_29, %add3A_35 : vector<16xi32>
      %gather3A_37 = tpu.vector_load_idx %arg6[%add3A_36] : memref<32768xf32, #tpu.memory_space<vmem>>[vector<16xi32>], vector<16xf32>,
      %swap3A_38 = arith.index_cast %scan3A_23 : i32 to index
      %swap3A_39 = arith.constant 16 : index
      %swap3A_40 = tpu.vector_load %arg7[%swap3A_38, %swap3A_39] {strides = array<i32>} : memref<224x32xf32, #tpu.memory_space<vmem>>, vector<16xf32>,
      tpu.vector_store %arg7[%swap3A_38, %swap3A_39], %gather3A_37 {strides = array<i32>} : memref<224x32xf32, #tpu.memory_space<vmem>>, vector<16xf32>,
      %scan3A_41 = arith.constant 2 : i32
      %scan3A_42 = arith.addi %scan3A_8, %scan3A_41 : i32
      %broadcast_in_dim3A_43 = vector.broadcast %scan3A_42 : i32 to vector<16xi32>
      %gather3A_44 = tpu.vector_load_idx %arg5[%broadcast_in_dim3A_43] : memref<224xi32, #tpu.memory_space<vmem>>[vector<16xi32>], vector<16xi32>,
      %shift_left3A_45 = arith.constant 5 : i32
      %shift_left3A_46 = vector.broadcast %shift_left3A_45 : i32 to vector<16xi32>
      %shift_left3A_47 = arith.shli %gather3A_44, %shift_left3A_46 : vector<16xi32>
      %add3A_48 = arith.addi %shift_left3A_47, %iota3A : vector<16xi32>
      %gather3A_49 = tpu.vector_load_idx %arg6[%add3A_48] : memref<32768xf32, #tpu.memory_space<vmem>>[vector<16xi32>], vector<16xf32>,
      %swap3A_50 = arith.index_cast %scan3A_42 : i32 to index
      %swap3A_51 = arith.constant 0 : index
      %swap3A_52 = tpu.vector_load %arg7[%swap3A_50, %swap3A_51] {strides = array<i32>} : memref<224x32xf32, #tpu.memory_space<vmem>>, vector<16xf32>,
      tpu.vector_store %arg7[%swap3A_50, %swap3A_51], %gather3A_49 {strides = array<i32>} : memref<224x32xf32, #tpu.memory_space<vmem>>, vector<16xf32>,
      %add3A_53 = arith.constant 16 : i32
      %add3A_54 = vector.broadcast %add3A_53 : i32 to vector<16xi32>
      %add3A_55 = arith.addi %add3A_48, %add3A_54 : vector<16xi32>
      %gather3A_56 = tpu.vector_load_idx %arg6[%add3A_55] : memref<32768xf32, #tpu.memory_space<vmem>>[vector<16xi32>], vector<16xf32>,
      %swap3A_57 = arith.index_cast %scan3A_42 : i32 to index
      %swap3A_58 = arith.constant 16 : index
      %swap3A_59 = tpu.vector_load %arg7[%swap3A_57, %swap3A_58] {strides = array<i32>} : memref<224x32xf32, #tpu.memory_space<vmem>>, vector<16xf32>,
      tpu.vector_store %arg7[%swap3A_57, %swap3A_58], %gather3A_56 {strides = array<i32>} : memref<224x32xf32, #tpu.memory_space<vmem>>, vector<16xf32>,
      %scan3A_60 = arith.constant 3 : i32
      %scan3A_61 = arith.addi %scan3A_8, %scan3A_60 : i32
      %broadcast_in_dim3A_62 = vector.broadcast %scan3A_61 : i32 to vector<16xi32>
      %gather3A_63 = tpu.vector_load_idx %arg5[%broadcast_in_dim3A_62] : memref<224xi32, #tpu.memory_space<vmem>>[vector<16xi32>], vector<16xi32>,
      %shift_left3A_64 = arith.constant 5 : i32
      %shift_left3A_65 = vector.broadcast %shift_left3A_64 : i32 to vector<16xi32>
      %shift_left3A_66 = arith.shli %gather3A_63, %shift_left3A_65 : vector<16xi32>
      %add3A_67 = arith.addi %shift_left3A_66, %iota3A : vector<16xi32>
      %gather3A_68 = tpu.vector_load_idx %arg6[%add3A_67] : memref<32768xf32, #tpu.memory_space<vmem>>[vector<16xi32>], vector<16xf32>,
      %swap3A_69 = arith.index_cast %scan3A_61 : i32 to index
      %swap3A_70 = arith.constant 0 : index
      %swap3A_71 = tpu.vector_load %arg7[%swap3A_69, %swap3A_70] {strides = array<i32>} : memref<224x32xf32, #tpu.memory_space<vmem>>, vector<16xf32>,
      tpu.vector_store %arg7[%swap3A_69, %swap3A_70], %gather3A_68 {strides = array<i32>} : memref<224x32xf32, #tpu.memory_space<vmem>>, vector<16xf32>,
      %add3A_72 = arith.constant 16 : i32
      %add3A_73 = vector.broadcast %add3A_72 : i32 to vector<16xi32>
      %add3A_74 = arith.addi %add3A_67, %add3A_73 : vector<16xi32>
      %gather3A_75 = tpu.vector_load_idx %arg6[%add3A_74] : memref<32768xf32, #tpu.memory_space<vmem>>[vector<16xi32>], vector<16xf32>,
      %swap3A_76 = arith.index_cast %scan3A_61 : i32 to index
      %swap3A_77 = arith.constant 16 : index
      %swap3A_78 = tpu.vector_load %arg7[%swap3A_76, %swap3A_77] {strides = array<i32>} : memref<224x32xf32, #tpu.memory_space<vmem>>, vector<16xf32>,
      tpu.vector_store %arg7[%swap3A_76, %swap3A_77], %gather3A_75 {strides = array<i32>} : memref<224x32xf32, #tpu.memory_space<vmem>>, vector<16xf32>,
      %scan3A_79 = arith.constant 4 : i32
      %scan3A_80 = arith.addi %scan3A_8, %scan3A_79 : i32
      %broadcast_in_dim3A_81 = vector.broadcast %scan3A_80 : i32 to vector<16xi32>
      %gather3A_82 = tpu.vector_load_idx %arg5[%broadcast_in_dim3A_81] : memref<224xi32, #tpu.memory_space<vmem>>[vector<16xi32>], vector<16xi32>,
      %shift_left3A_83 = arith.constant 5 : i32
      %shift_left3A_84 = vector.broadcast %shift_left3A_83 : i32 to vector<16xi32>
      %shift_left3A_85 = arith.shli %gather3A_82, %shift_left3A_84 : vector<16xi32>
      %add3A_86 = arith.addi %shift_left3A_85, %iota3A : vector<16xi32>
      %gather3A_87 = tpu.vector_load_idx %arg6[%add3A_86] : memref<32768xf32, #tpu.memory_space<vmem>>[vector<16xi32>], vector<16xf32>,
      %swap3A_88 = arith.index_cast %scan3A_80 : i32 to index
      %swap3A_89 = arith.constant 0 : index
      %swap3A_90 = tpu.vector_load %arg7[%swap3A_88, %swap3A_89] {strides = array<i32>} : memref<224x32xf32, #tpu.memory_space<vmem>>, vector<16xf32>,
      tpu.vector_store %arg7[%swap3A_88, %swap3A_89], %gather3A_87 {strides = array<i32>} : memref<224x32xf32, #tpu.memory_space<vmem>>, vector<16xf32>,
      %add3A_91 = arith.constant 16 : i32
      %add3A_92 = vector.broadcast %add3A_91 : i32 to vector<16xi32>
      %add3A_93 = arith.addi %add3A_86, %add3A_92 : vector<16xi32>
      %gather3A_94 = tpu.vector_load_idx %arg6[%add3A_93] : memref<32768xf32, #tpu.memory_space<vmem>>[vector<16xi32>], vector<16xf32>,
      %swap3A_95 = arith.index_cast %scan3A_80 : i32 to index
      %swap3A_96 = arith.constant 16 : index
      %swap3A_97 = tpu.vector_load %arg7[%swap3A_95, %swap3A_96] {strides = array<i32>} : memref<224x32xf32, #tpu.memory_space<vmem>>, vector<16xf32>,
      tpu.vector_store %arg7[%swap3A_95, %swap3A_96], %gather3A_94 {strides = array<i32>} : memref<224x32xf32, #tpu.memory_space<vmem>>, vector<16xf32>,
      %scan3A_98 = arith.constant 5 : i32
      %scan3A_99 = arith.addi %scan3A_8, %scan3A_98 : i32
      %broadcast_in_dim3A_100 = vector.broadcast %scan3A_99 : i32 to vector<16xi32>
      %gather3A_101 = tpu.vector_load_idx %arg5[%broadcast_in_dim3A_100] : memref<224xi32, #tpu.memory_space<vmem>>[vector<16xi32>], vector<16xi32>,
      %shift_left3A_102 = arith.constant 5 : i32
      %shift_left3A_103 = vector.broadcast %shift_left3A_102 : i32 to vector<16xi32>
      %shift_left3A_104 = arith.shli %gather3A_101, %shift_left3A_103 : vector<16xi32>
      %add3A_105 = arith.addi %shift_left3A_104, %iota3A : vector<16xi32>
      %gather3A_106 = tpu.vector_load_idx %arg6[%add3A_105] : memref<32768xf32, #tpu.memory_space<vmem>>[vector<16xi32>], vector<16xf32>,
      %swap3A_107 = arith.index_cast %scan3A_99 : i32 to index
      %swap3A_108 = arith.constant 0 : index
      %swap3A_109 = tpu.vector_load %arg7[%swap3A_107, %swap3A_108] {strides = array<i32>} : memref<224x32xf32, #tpu.memory_space<vmem>>, vector<16xf32>,
      tpu.vector_store %arg7[%swap3A_107, %swap3A_108], %gather3A_106 {strides = array<i32>} : memref<224x32xf32, #tpu.memory_space<vmem>>, vector<16xf32>,
      %add3A_110 = arith.constant 16 : i32
      %add3A_111 = vector.broadcast %add3A_110 : i32 to vector<16xi32>
      %add3A_112 = arith.addi %add3A_105, %add3A_111 : vector<16xi32>
      %gather3A_113 = tpu.vector_load_idx %arg6[%add3A_112] : memref<32768xf32, #tpu.memory_space<vmem>>[vector<16xi32>], vector<16xf32>,
      %swap3A_114 = arith.index_cast %scan3A_99 : i32 to index
      %swap3A_115 = arith.constant 16 : index
      %swap3A_116 = tpu.vector_load %arg7[%swap3A_114, %swap3A_115] {strides = array<i32>} : memref<224x32xf32, #tpu.memory_space<vmem>>, vector<16xf32>,
      tpu.vector_store %arg7[%swap3A_114, %swap3A_115], %gather3A_113 {strides = array<i32>} : memref<224x32xf32, #tpu.memory_space<vmem>>, vector<16xf32>,
      %scan3A_117 = arith.constant 6 : i32
      %scan3A_118 = arith.addi %scan3A_8, %scan3A_117 : i32
      %broadcast_in_dim3A_119 = vector.broadcast %scan3A_118 : i32 to vector<16xi32>
      %gather3A_120 = tpu.vector_load_idx %arg5[%broadcast_in_dim3A_119] : memref<224xi32, #tpu.memory_space<vmem>>[vector<16xi32>], vector<16xi32>,
      %shift_left3A_121 = arith.constant 5 : i32
      %shift_left3A_122 = vector.broadcast %shift_left3A_121 : i32 to vector<16xi32>
      %shift_left3A_123 = arith.shli %gather3A_120, %shift_left3A_122 : vector<16xi32>
      %add3A_124 = arith.addi %shift_left3A_123, %iota3A : vector<16xi32>
      %gather3A_125 = tpu.vector_load_idx %arg6[%add3A_124] : memref<32768xf32, #tpu.memory_space<vmem>>[vector<16xi32>], vector<16xf32>,
      %swap3A_126 = arith.index_cast %scan3A_118 : i32 to index
      %swap3A_127 = arith.constant 0 : index
      %swap3A_128 = tpu.vector_load %arg7[%swap3A_126, %swap3A_127] {strides = array<i32>} : memref<224x32xf32, #tpu.memory_space<vmem>>, vector<16xf32>,
      tpu.vector_store %arg7[%swap3A_126, %swap3A_127], %gather3A_125 {strides = array<i32>} : memref<224x32xf32, #tpu.memory_space<vmem>>, vector<16xf32>,
      %add3A_129 = arith.constant 16 : i32
      %add3A_130 = vector.broadcast %add3A_129 : i32 to vector<16xi32>
      %add3A_131 = arith.addi %add3A_124, %add3A_130 : vector<16xi32>
      %gather3A_132 = tpu.vector_load_idx %arg6[%add3A_131] : memref<32768xf32, #tpu.memory_space<vmem>>[vector<16xi32>], vector<16xf32>,
      %swap3A_133 = arith.index_cast %scan3A_118 : i32 to index
      %swap3A_134 = arith.constant 16 : index
      %swap3A_135 = tpu.vector_load %arg7[%swap3A_133, %swap3A_134] {strides = array<i32>} : memref<224x32xf32, #tpu.memory_space<vmem>>, vector<16xf32>,
      tpu.vector_store %arg7[%swap3A_133, %swap3A_134], %gather3A_132 {strides = array<i32>} : memref<224x32xf32, #tpu.memory_space<vmem>>, vector<16xf32>,
      %scan3A_136 = arith.constant 7 : i32
      %scan3A_137 = arith.addi %scan3A_8, %scan3A_136 : i32
      %broadcast_in_dim3A_138 = vector.broadcast %scan3A_137 : i32 to vector<16xi32>
      %gather3A_139 = tpu.vector_load_idx %arg5[%broadcast_in_dim3A_138] : memref<224xi32, #tpu.memory_space<vmem>>[vector<16xi32>], vector<16xi32>,
      %shift_left3A_140 = arith.constant 5 : i32
      %shift_left3A_141 = vector.broadcast %shift_left3A_140 : i32 to vector<16xi32>
      %shift_left3A_142 = arith.shli %gather3A_139, %shift_left3A_141 : vector<16xi32>
      %add3A_143 = arith.addi %shift_left3A_142, %iota3A : vector<16xi32>
      %gather3A_144 = tpu.vector_load_idx %arg6[%add3A_143] : memref<32768xf32, #tpu.memory_space<vmem>>[vector<16xi32>], vector<16xf32>,
      %swap3A_145 = arith.index_cast %scan3A_137 : i32 to index
      %swap3A_146 = arith.constant 0 : index
      %swap3A_147 = tpu.vector_load %arg7[%swap3A_145, %swap3A_146] {strides = array<i32>} : memref<224x32xf32, #tpu.memory_space<vmem>>, vector<16xf32>,
      tpu.vector_store %arg7[%swap3A_145, %swap3A_146], %gather3A_144 {strides = array<i32>} : memref<224x32xf32, #tpu.memory_space<vmem>>, vector<16xf32>,
      %add3A_148 = arith.constant 16 : i32
      %add3A_149 = vector.broadcast %add3A_148 : i32 to vector<16xi32>
      %add3A_150 = arith.addi %add3A_143, %add3A_149 : vector<16xi32>
      %gather3A_151 = tpu.vector_load_idx %arg6[%add3A_150] : memref<32768xf32, #tpu.memory_space<vmem>>[vector<16xi32>], vector<16xf32>,
      %swap3A_152 = arith.index_cast %scan3A_137 : i32 to index
      %swap3A_153 = arith.constant 16 : index
      %swap3A_154 = tpu.vector_load %arg7[%swap3A_152, %swap3A_153] {strides = array<i32>} : memref<224x32xf32, #tpu.memory_space<vmem>>, vector<16xf32>,
      tpu.vector_store %arg7[%swap3A_152, %swap3A_153], %gather3A_151 {strides = array<i32>} : memref<224x32xf32, #tpu.memory_space<vmem>>, vector<16xf32>,
    }
    %scan3A_7 = arith.constant 224 : i32
    "tpu.region"() ({
      %run_scoped3A = tpu.sem_alloc : memref<!tpu.dma_semaphore, #tpu.memory_space<semaphore_mem>>
      %dma_start3A = arith.constant 0 : i32
      %dma_start3A_8 = tpu.memref_slice %arg4[%mul3A_2, %dma_start3A] : memref<7168x32xf32, #tpu.memory_space<hbm>> -> memref<224x32xf32, #tpu.memory_space<hbm>>
      %dma_start3A_9 = arith.constant 0 : i32
      %dma_start3A_10 = tpu.memref_slice %arg4[%mul3A_2, %dma_start3A_9] : memref<7168x32xf32, #tpu.memory_space<hbm>> -> memref<224x32xf32, #tpu.memory_space<hbm>>
      tpu.enqueue_dma source(%arg7 : memref<224x32xf32, #tpu.memory_space<vmem>>) target(%dma_start3A_10 : memref<224x32xf32, #tpu.memory_space<hbm>>) target_semaphore(%run_scoped3A : memref<!tpu.dma_semaphore, #tpu.memory_space<semaphore_mem>>)
      %dma_wait3A = arith.constant 0 : i32
      %dma_wait3A_11 = tpu.memref_slice %arg4[%mul3A_2, %dma_wait3A] : memref<7168x32xf32, #tpu.memory_space<hbm>> -> memref<224x32xf32, #tpu.memory_space<hbm>>
      %dma_wait3A_12 = arith.constant 0 : i32
      %dma_wait3A_13 = tpu.memref_slice %arg4[%mul3A_2, %dma_wait3A_12] : memref<7168x32xf32, #tpu.memory_space<hbm>> -> memref<224x32xf32, #tpu.memory_space<hbm>>
      tpu.wait_dma2 semaphore(%run_scoped3A : memref<!tpu.dma_semaphore, #tpu.memory_space<semaphore_mem>>) src(%arg7 : memref<224x32xf32, #tpu.memory_space<vmem>>) dst(%dma_wait3A_13 : memref<224x32xf32, #tpu.memory_space<hbm>>)
      tpu.yield
    }) : () -> ()
    return
  }
}

module attributes {stable_mosaic.version = 14 : i64} {
  func.func @_argmin_gather_body(%arg0: i32, %arg1: memref<1024x32xf32, #tpu.memory_space<vmem>>, %arg2: memref<1024x32xf32, #tpu.memory_space<vmem>>, %arg3: memref<1024xi32, #tpu.memory_space<vmem>>, %arg4: memref<1x1xf32, #tpu.memory_space<vmem>>, %arg5: memref<1024x32xf32, #tpu.memory_space<vmem>>) attributes {dimension_semantics = [#tpu.dimension_semantics<arbitrary>], iteration_bounds = array<i64: 1>, scalar_prefetch = 0 : i64, scratch_operands = 0 : i64, tpu.core_type = #tpu.core_type<tc>, window_params = [{transform_indices = @transform_0, window_bounds = array<i64: 1024, 32>}, {pipeline_mode = #tpu.pipeline_mode<synchronous>, transform_indices = @transform_1, window_bounds = array<i64: 1024, 32>}, {transform_indices = @transform_2, window_bounds = array<i64: 1024>}, {pipeline_mode = #tpu.pipeline_mode<synchronous>, transform_indices = @transform_3, window_bounds = array<i64: 1, 1>}, {transform_indices = @transform_4, window_bounds = array<i64: 1024, 32>}]} {
    %get3A = arith.constant 0 : index
    %get3A_0 = arith.constant 0 : index
    %get3A_1 = vector.load %arg2[%get3A, %get3A_0] : memref<1024x32xf32, #tpu.memory_space<vmem>>, vector<1024x32xf32>
    %get3A_2 = arith.constant 0 : index
    %get3A_3 = arith.constant 0 : index
    %get3A_4 = vector.load %arg1[%get3A_2, %get3A_3] : memref<1024x32xf32, #tpu.memory_space<vmem>>, vector<1024x32xf32>
    %mul3A = arith.mulf %get3A_4, %get3A_4 : vector<1024x32xf32>
    %reduce_sum3A = arith.constant dense<0.000000e+00> : vector<1024xf32>
    %reduce_sum3A_5 = vector.multi_reduction <add>, %mul3A, %reduce_sum3A [1] : vector<1024x32xf32> to vector<1024xf32>
    %broadcast_in_dim3A = vector.shape_cast %reduce_sum3A_5 : vector<1024xf32> to vector<1024x1xf32>
    %mul3A_6 = arith.mulf %get3A_1, %get3A_1 : vector<1024x32xf32>
    %reduce_sum3A_7 = arith.constant dense<0.000000e+00> : vector<1024xf32>
    %reduce_sum3A_8 = vector.multi_reduction <add>, %mul3A_6, %reduce_sum3A_7 [1] : vector<1024x32xf32> to vector<1024xf32>
    %broadcast_in_dim3A_9 = vector.shape_cast %reduce_sum3A_8 : vector<1024xf32> to vector<1x1024xf32>
    %dot_general3A = arith.constant dense<0.000000e+00> : vector<1024x1024xf32>
    %dot_general3A_10 = tpu.matmul %get3A_4, %get3A_1, %dot_general3A {dimension_numbers = #tpu.dot_dimension_numbers<[1], [1], [0], [0], [0, 0, 1, 0], [], []>, transpose_lhs_hint = false} : vector<1024x32xf32>, vector<1024x32xf32>, vector<1024x1024xf32> -> vector<1024x1024xf32>
    %add3A = vector.broadcast %broadcast_in_dim3A : vector<1024x1xf32> to vector<1024x1024xf32>
    %add3A_11 = vector.broadcast %broadcast_in_dim3A_9 : vector<1x1024xf32> to vector<1024x1024xf32>
    %add3A_12 = arith.addf %add3A, %add3A_11 : vector<1024x1024xf32>
    %mul3A_13 = arith.constant 2.000000e+00 : f32
    %mul3A_14 = vector.broadcast %mul3A_13 : f32 to vector<1024x1024xf32>
    %mul3A_15 = arith.mulf %mul3A_14, %dot_general3A_10 : vector<1024x1024xf32>
    %sub3A = arith.subf %add3A_12, %mul3A_15 : vector<1024x1024xf32>
    %reduce_min3A = arith.constant dense<0x7F800000> : vector<1024xf32>
    %reduce_min3A_16 = vector.multi_reduction <minimumf>, %sub3A, %reduce_min3A [1] : vector<1024x1024xf32> to vector<1024xf32>
    %iota3A = tpu.iota {dimensions = array<i32: 1>} : vector<1024x1024xi32>
    %broadcast_in_dim3A_17 = vector.shape_cast %reduce_min3A_16 : vector<1024xf32> to vector<1024x1xf32>
    %eq3A = vector.broadcast %broadcast_in_dim3A_17 : vector<1024x1xf32> to vector<1024x1024xf32>
    %eq3A_18 = arith.cmpf oeq, %sub3A, %eq3A : vector<1024x1024xf32>
    %jit3A = arith.constant 1024 : i32
    %broadcast_in_dim3A_19 = vector.broadcast %jit3A : i32 to vector<1024x1024xi32>
    %select_n3A = arith.select %eq3A_18, %iota3A, %broadcast_in_dim3A_19 : vector<1024x1024xi1>, vector<1024x1024xi32>
    %reduce_min3A_20 = arith.constant dense<2147483647> : vector<1024xi32>
    %reduce_min3A_21 = vector.multi_reduction <minsi>, %select_n3A, %reduce_min3A_20 [1] : vector<1024x1024xi32> to vector<1024xi32>
    %swap3A = arith.constant 0 : index
    %swap3A_22 = vector.load %arg3[%swap3A] : memref<1024xi32, #tpu.memory_space<vmem>>, vector<1024xi32>
    tpu.vector_store %arg3[%swap3A], %reduce_min3A_21 {strides = array<i32>} : memref<1024xi32, #tpu.memory_space<vmem>>, vector<1024xi32>,
    %broadcast_in_dim3A_23 = vector.shape_cast %reduce_min3A_21 : vector<1024xi32> to vector<1024x1xi32>
    %eq3A_24 = vector.broadcast %broadcast_in_dim3A_23 : vector<1024x1xi32> to vector<1024x1024xi32>
    %eq3A_25 = arith.cmpi eq, %iota3A, %eq3A_24 : vector<1024x1024xi32>
    %convert_element_type3A = arith.extui %eq3A_25 : vector<1024x1024xi1> to vector<1024x1024xi32>
    %convert_element_type3A_26 = arith.sitofp %convert_element_type3A : vector<1024x1024xi32> to vector<1024x1024xf32>
    %convert_element_type3A_27 = arith.truncf %get3A_1 : vector<1024x32xf32> to vector<1024x32xbf16>
    %convert_element_type3A_28 = arith.extf %convert_element_type3A_27 : vector<1024x32xbf16> to vector<1024x32xf32>
    %sub3A_29 = arith.subf %get3A_1, %convert_element_type3A_28 : vector<1024x32xf32>
    %dot_general3A_30 = arith.constant dense<0.000000e+00> : vector<1024x32xf32>
    %dot_general3A_31 = tpu.matmul %convert_element_type3A_26, %convert_element_type3A_28, %dot_general3A_30 {dimension_numbers = #tpu.dot_dimension_numbers<[1], [0], [0], [1], [0, 0, 1, 1], [], []>, transpose_lhs_hint = false} : vector<1024x1024xf32>, vector<1024x32xf32>, vector<1024x32xf32> -> vector<1024x32xf32>
    %dot_general3A_32 = arith.constant dense<0.000000e+00> : vector<1024x32xf32>
    %dot_general3A_33 = tpu.matmul %convert_element_type3A_26, %sub3A_29, %dot_general3A_32 {dimension_numbers = #tpu.dot_dimension_numbers<[1], [0], [0], [1], [0, 0, 1, 1], [], []>, transpose_lhs_hint = false} : vector<1024x1024xf32>, vector<1024x32xf32>, vector<1024x32xf32> -> vector<1024x32xf32>
    %add3A_34 = arith.addf %dot_general3A_31, %dot_general3A_33 : vector<1024x32xf32>
    %swap3A_35 = arith.constant 0 : index
    %swap3A_36 = arith.constant 0 : index
    %swap3A_37 = vector.load %arg5[%swap3A_35, %swap3A_36] : memref<1024x32xf32, #tpu.memory_space<vmem>>, vector<1024x32xf32>
    tpu.vector_store %arg5[%swap3A_35, %swap3A_36], %add3A_34 {strides = array<i32>} : memref<1024x32xf32, #tpu.memory_space<vmem>>, vector<1024x32xf32>,
    %eq3A_38 = arith.constant 0 : i32
    %eq3A_39 = arith.cmpi eq, %arg0, %eq3A_38 : i32
    %convert_element_type3A_40 = arith.extui %eq3A_39 : i1 to i32
    %cond3A = arith.constant 0 : i32
    %cond3A_41 = arith.cmpi ne, %convert_element_type3A_40, %cond3A : i32
    scf.if %cond3A_41 {
      %broadcast_in_dim3A_55 = arith.constant 0.000000e+00 : f32
      %broadcast_in_dim3A_56 = vector.broadcast %broadcast_in_dim3A_55 : f32 to vector<1x1xf32>
      %swap3A_57 = arith.constant 0 : index
      %swap3A_58 = arith.constant 0 : index
      %swap3A_59 = vector.load %arg4[%swap3A_57, %swap3A_58] : memref<1x1xf32, #tpu.memory_space<vmem>>, vector<1x1xf32>
      tpu.vector_store %arg4[%swap3A_57, %swap3A_58], %broadcast_in_dim3A_56 {strides = array<i32>} : memref<1x1xf32, #tpu.memory_space<vmem>>, vector<1x1xf32>,
    } else {
    }
    %get3A_42 = arith.constant 0 : index
    %get3A_43 = arith.constant 0 : index
    %get3A_44 = vector.load %arg4[%get3A_42, %get3A_43] : memref<1x1xf32, #tpu.memory_space<vmem>>, vector<1x1xf32>
    %reduce_sum3A_45 = vector.shape_cast %reduce_min3A_16 : vector<1024xf32> to vector<1x1024xf32>
    %reduce_sum3A_46 = arith.constant dense<0.000000e+00> : vector<1xf32>
    %reduce_sum3A_47 = vector.multi_reduction <add>, %reduce_sum3A_45, %reduce_sum3A_46 [1] : vector<1x1024xf32> to vector<1xf32>
    %reduce_sum3A_48 = vector.shape_cast %reduce_sum3A_47 : vector<1xf32> to vector<1x1xf32>
    %reduce_sum3A_49 = vector.extract %reduce_sum3A_48[0, 0] : f32 from vector<1x1xf32>
    %add3A_50 = vector.broadcast %reduce_sum3A_49 : f32 to vector<1x1xf32>
    %add3A_51 = arith.addf %get3A_44, %add3A_50 : vector<1x1xf32>
    %swap3A_52 = arith.constant 0 : index
    %swap3A_53 = arith.constant 0 : index
    %swap3A_54 = vector.load %arg4[%swap3A_52, %swap3A_53] : memref<1x1xf32, #tpu.memory_space<vmem>>, vector<1x1xf32>
    tpu.vector_store %arg4[%swap3A_52, %swap3A_53], %add3A_51 {strides = array<i32>} : memref<1x1xf32, #tpu.memory_space<vmem>>, vector<1x1xf32>,
    return
  }
  func.func @transform_0(%arg0: i32) -> (i32, i32) {
    %add3A = arith.constant 7 : i32
    %add3A_0 = arith.addi %arg0, %add3A : i32
    %c0_i32 = arith.constant 0 : i32
    %c0_i32_1 = arith.constant 0 : i32
    return %add3A_0, %c0_i32 : i32, i32
  }
  func.func @transform_1(%arg0: i32) -> (i32, i32) {
    %c0_i32 = arith.constant 0 : i32
    %c0_i32_0 = arith.constant 0 : i32
    %c0_i32_1 = arith.constant 0 : i32
    return %c0_i32, %c0_i32_0 : i32, i32
  }
  func.func @transform_2(%arg0: i32) -> i32 {
    %c0_i32 = arith.constant 0 : i32
    return %arg0 : i32
  }
  func.func @transform_3(%arg0: i32) -> (i32, i32) {
    %c0_i32 = arith.constant 0 : i32
    %c0_i32_0 = arith.constant 0 : i32
    %c0_i32_1 = arith.constant 0 : i32
    return %c0_i32, %c0_i32_0 : i32, i32
  }
  func.func @transform_4(%arg0: i32) -> (i32, i32) {
    %c0_i32 = arith.constant 0 : i32
    %c0_i32_0 = arith.constant 0 : i32
    return %arg0, %c0_i32 : i32, i32
  }
}

module attributes {stable_mosaic.version = 14 : i64} {
  func.func @_argmin_body(%arg0: i32, %arg1: memref<1024x32xf32, #tpu.memory_space<vmem>>, %arg2: memref<1024x32xf32, #tpu.memory_space<vmem>>, %arg3: memref<1024xi32, #tpu.memory_space<vmem>>, %arg4: memref<1x1xf32, #tpu.memory_space<vmem>>) attributes {dimension_semantics = [#tpu.dimension_semantics<arbitrary>], iteration_bounds = array<i64: 7>, scalar_prefetch = 0 : i64, scratch_operands = 0 : i64, tpu.core_type = #tpu.core_type<tc>, window_params = [{transform_indices = @transform_0, window_bounds = array<i64: 1024, 32>}, {pipeline_mode = #tpu.pipeline_mode<synchronous>, transform_indices = @transform_1, window_bounds = array<i64: 1024, 32>}, {transform_indices = @transform_2, window_bounds = array<i64: 1024>}, {pipeline_mode = #tpu.pipeline_mode<synchronous>, transform_indices = @transform_3, window_bounds = array<i64: 1, 1>}]} {
    %get3A = arith.constant 0 : index
    %get3A_0 = arith.constant 0 : index
    %get3A_1 = vector.load %arg1[%get3A, %get3A_0] : memref<1024x32xf32, #tpu.memory_space<vmem>>, vector<1024x32xf32>
    %get3A_2 = arith.constant 0 : index
    %get3A_3 = arith.constant 0 : index
    %get3A_4 = vector.load %arg2[%get3A_2, %get3A_3] : memref<1024x32xf32, #tpu.memory_space<vmem>>, vector<1024x32xf32>
    %mul3A = arith.mulf %get3A_1, %get3A_1 : vector<1024x32xf32>
    %reduce_sum3A = arith.constant dense<0.000000e+00> : vector<1024xf32>
    %reduce_sum3A_5 = vector.multi_reduction <add>, %mul3A, %reduce_sum3A [1] : vector<1024x32xf32> to vector<1024xf32>
    %broadcast_in_dim3A = vector.shape_cast %reduce_sum3A_5 : vector<1024xf32> to vector<1024x1xf32>
    %mul3A_6 = arith.mulf %get3A_4, %get3A_4 : vector<1024x32xf32>
    %reduce_sum3A_7 = arith.constant dense<0.000000e+00> : vector<1024xf32>
    %reduce_sum3A_8 = vector.multi_reduction <add>, %mul3A_6, %reduce_sum3A_7 [1] : vector<1024x32xf32> to vector<1024xf32>
    %broadcast_in_dim3A_9 = vector.shape_cast %reduce_sum3A_8 : vector<1024xf32> to vector<1x1024xf32>
    %dot_general3A = arith.constant dense<0.000000e+00> : vector<1024x1024xf32>
    %dot_general3A_10 = tpu.matmul %get3A_1, %get3A_4, %dot_general3A {dimension_numbers = #tpu.dot_dimension_numbers<[1], [1], [0], [0], [0, 0, 1, 0], [], []>, transpose_lhs_hint = false} : vector<1024x32xf32>, vector<1024x32xf32>, vector<1024x1024xf32> -> vector<1024x1024xf32>
    %add3A = vector.broadcast %broadcast_in_dim3A : vector<1024x1xf32> to vector<1024x1024xf32>
    %add3A_11 = vector.broadcast %broadcast_in_dim3A_9 : vector<1x1024xf32> to vector<1024x1024xf32>
    %add3A_12 = arith.addf %add3A, %add3A_11 : vector<1024x1024xf32>
    %mul3A_13 = arith.constant 2.000000e+00 : f32
    %mul3A_14 = vector.broadcast %mul3A_13 : f32 to vector<1024x1024xf32>
    %mul3A_15 = arith.mulf %mul3A_14, %dot_general3A_10 : vector<1024x1024xf32>
    %sub3A = arith.subf %add3A_12, %mul3A_15 : vector<1024x1024xf32>
    %reduce_min3A = arith.constant dense<0x7F800000> : vector<1024xf32>
    %reduce_min3A_16 = vector.multi_reduction <minimumf>, %sub3A, %reduce_min3A [1] : vector<1024x1024xf32> to vector<1024xf32>
    %iota3A = tpu.iota {dimensions = array<i32: 1>} : vector<1024x1024xi32>
    %broadcast_in_dim3A_17 = vector.shape_cast %reduce_min3A_16 : vector<1024xf32> to vector<1024x1xf32>
    %eq3A = vector.broadcast %broadcast_in_dim3A_17 : vector<1024x1xf32> to vector<1024x1024xf32>
    %eq3A_18 = arith.cmpf oeq, %sub3A, %eq3A : vector<1024x1024xf32>
    %jit3A = arith.constant 1024 : i32
    %broadcast_in_dim3A_19 = vector.broadcast %jit3A : i32 to vector<1024x1024xi32>
    %select_n3A = arith.select %eq3A_18, %iota3A, %broadcast_in_dim3A_19 : vector<1024x1024xi1>, vector<1024x1024xi32>
    %reduce_min3A_20 = arith.constant dense<2147483647> : vector<1024xi32>
    %reduce_min3A_21 = vector.multi_reduction <minsi>, %select_n3A, %reduce_min3A_20 [1] : vector<1024x1024xi32> to vector<1024xi32>
    %swap3A = arith.constant 0 : index
    %swap3A_22 = vector.load %arg3[%swap3A] : memref<1024xi32, #tpu.memory_space<vmem>>, vector<1024xi32>
    tpu.vector_store %arg3[%swap3A], %reduce_min3A_21 {strides = array<i32>} : memref<1024xi32, #tpu.memory_space<vmem>>, vector<1024xi32>,
    %eq3A_23 = arith.constant 0 : i32
    %eq3A_24 = arith.cmpi eq, %arg0, %eq3A_23 : i32
    %convert_element_type3A = arith.extui %eq3A_24 : i1 to i32
    %cond3A = arith.constant 0 : i32
    %cond3A_25 = arith.cmpi ne, %convert_element_type3A, %cond3A : i32
    scf.if %cond3A_25 {
      %broadcast_in_dim3A_39 = arith.constant 0.000000e+00 : f32
      %broadcast_in_dim3A_40 = vector.broadcast %broadcast_in_dim3A_39 : f32 to vector<1x1xf32>
      %swap3A_41 = arith.constant 0 : index
      %swap3A_42 = arith.constant 0 : index
      %swap3A_43 = vector.load %arg4[%swap3A_41, %swap3A_42] : memref<1x1xf32, #tpu.memory_space<vmem>>, vector<1x1xf32>
      tpu.vector_store %arg4[%swap3A_41, %swap3A_42], %broadcast_in_dim3A_40 {strides = array<i32>} : memref<1x1xf32, #tpu.memory_space<vmem>>, vector<1x1xf32>,
    } else {
    }
    %get3A_26 = arith.constant 0 : index
    %get3A_27 = arith.constant 0 : index
    %get3A_28 = vector.load %arg4[%get3A_26, %get3A_27] : memref<1x1xf32, #tpu.memory_space<vmem>>, vector<1x1xf32>
    %reduce_sum3A_29 = vector.shape_cast %reduce_min3A_16 : vector<1024xf32> to vector<1x1024xf32>
    %reduce_sum3A_30 = arith.constant dense<0.000000e+00> : vector<1xf32>
    %reduce_sum3A_31 = vector.multi_reduction <add>, %reduce_sum3A_29, %reduce_sum3A_30 [1] : vector<1x1024xf32> to vector<1xf32>
    %reduce_sum3A_32 = vector.shape_cast %reduce_sum3A_31 : vector<1xf32> to vector<1x1xf32>
    %reduce_sum3A_33 = vector.extract %reduce_sum3A_32[0, 0] : f32 from vector<1x1xf32>
    %add3A_34 = vector.broadcast %reduce_sum3A_33 : f32 to vector<1x1xf32>
    %add3A_35 = arith.addf %get3A_28, %add3A_34 : vector<1x1xf32>
    %swap3A_36 = arith.constant 0 : index
    %swap3A_37 = arith.constant 0 : index
    %swap3A_38 = vector.load %arg4[%swap3A_36, %swap3A_37] : memref<1x1xf32, #tpu.memory_space<vmem>>, vector<1x1xf32>
    tpu.vector_store %arg4[%swap3A_36, %swap3A_37], %add3A_35 {strides = array<i32>} : memref<1x1xf32, #tpu.memory_space<vmem>>, vector<1x1xf32>,
    return
  }
  func.func @transform_0(%arg0: i32) -> (i32, i32) {
    %c0_i32 = arith.constant 0 : i32
    %c0_i32_0 = arith.constant 0 : i32
    return %arg0, %c0_i32 : i32, i32
  }
  func.func @transform_1(%arg0: i32) -> (i32, i32) {
    %c0_i32 = arith.constant 0 : i32
    %c0_i32_0 = arith.constant 0 : i32
    %c0_i32_1 = arith.constant 0 : i32
    return %c0_i32, %c0_i32_0 : i32, i32
  }
  func.func @transform_2(%arg0: i32) -> i32 {
    %c0_i32 = arith.constant 0 : i32
    return %arg0 : i32
  }
  func.func @transform_3(%arg0: i32) -> (i32, i32) {
    %c0_i32 = arith.constant 0 : i32
    %c0_i32_0 = arith.constant 0 : i32
    %c0_i32_1 = arith.constant 0 : i32
    return %c0_i32, %c0_i32_0 : i32, i32
  }
}

</mosaic_0001>

<sc_bundles>
// kernel: kernel.5.cloned.1.call-start
scs
__scs_entry_jumppad:
0x0: {  	(pc) =	sbr.rel $0x88, $3  }
0x1: {  	(tag) =	ssettag $0x0;
	lr =	simm.s32 $0x1  }
0x2: {  	[smem:$0x3F9F] =	sst lr;
	_ =	strace $0xD0000000  }
0x3: {  	_ = 	snop  }
0x4: {  	_ = 	snop  }
0x5: {  	_ = 	snop  }
0x6: {  	_ = 	snop  }
0x7: {  	_ = 	snop  }
__scs_overlays_trampoline_lowered:
0x8: {  	[smem:$0x3FAE] =	sst s0  }
0x9: {  	[smem:$0x3FAF] =	sst s1  }
0xa: {  	[smem:$0x3FB0] =	sst s2  }
0xb: {  	[smem:$0x3FB1] =	sst s3  }
0xc: {  	[smem:$0x3FB2] =	sst s4  }
0xd: {  	[smem:$0x3FB3] =	sst s5  }
0xe: {  	[smem:$0x3FB4] =	sst s6  }
0xf: {  	[smem:$0x3FB5] =	sst s7  }
0x10: {  	[smem:$0x3FB6] =	sst s8  }
0x11: {  	[smem:$0x3FB7] =	sst s9;
	s0 =	simm.s32 @!p0 $0x0  }
0x12: {  	s1 =	sld [smem:$0x3F9D];
	s0 =	simm.s32 @p0 $0x1  }
0x13: {  	[smem:$0x3FB8] =	sst s0;
	s0 =	simm.s32 @!p1 $0x0  }
0x14: {  	s2 =	sld [smem:$0x3F9C];
	s0 =	simm.s32 @p1 $0x1  }
0x15: {  	[smem:$0x3FB9] =	sst s0;
	s0 =	simm.s32 @!p2 $0x0  }
0x16: {  	s3 =	sld [smem:$0x3FDB];
	s0 =	simm.s32 @p2 $0x1  }
0x17: {  	s4 =	simm.s32 $0x1BF5;
	[smem:$0x3FBB] =	sst s0  }
0x18: {  	s0 =	sld [smem:$0x3F9E];
	_ =	swait.ge [sflag:s4], $0x0  }
0x19: {  	s7 =	sld [smem:$0x3F9F]  }
0x1a: {  	s8 =	sadd.s32 $0xFFFFE003, lr  }
0x1b: {  	s9 =	sadd.s32 $0xFFFFFEF7, lr;
	s5 =	simm.s32 $0xFFFFFFFF;
	p2 =	slt.u32 s8, $0xFFFFF086  }
0x1c: {  	p1 =	slt.u32 s9, $0xF7A;
	s5 =	simm.s32 @!p2 $0x0  }
0x1d: {  	s5 =	simm.s32 @p1 $0x1;
	p0 =	seq.s32 s7, s2  }
0x1e: {  	s7 =	smul.u32 @!p0 $0xF7A, s2;
	p2 =	seq.s32 @!p0 s5, $0x0  }
0x1f: {  	s9 =	smul.u32 $0xF7A, s1;
	s8 =	simm.s32 @!p0 $0x1BF5;
	p2 =	por !p2, p0  }
0x20: {  	[sflag:s8] =	ssyncset.s32 @!p0 $0xFFFFF086;
	s6 =	sadd.s32 @!p0 s3, s7;
	s7 =	simm.s32 @!p0 $0x108  }
0x21: {  	s3 =	sadd.s32 s3, s9;
	s6 =	sadd.s32 @!p0 $0x88, s6;
	s7 =	simm.s32 @p2 $0x1082  }
0x22: {  	[simem:s7], [sflag:s8] =	dma.local @!p0 [hbm:s6], $0xF7A  }
0x23: {  	s9 =	sor.u32 $0xD0000000, s2;
	s6 =	simm.s32 $0x108;
	_ =	swait.ge @!p0 [sflag:s8], $0x0  }
0x24: {  	s3 =	sadd.s32 $0x88, s3;
	s6 =	simm.s32 @!p1 $0x1082;
	[sflag:s4] =	ssyncset.s32 $0xFFFFF086  }
0x25: {  	[simem:s6], [sflag:s4] =	dma.local [hbm:s3], $0xF7A  }
0x26: {  	[smem:$0x3F9F] =	sst s1;
	(tag) =	ssettag s2;
	_ =	strace s9  }
0x27: {  	s1 =	sld [smem:$0x3FAF]  }
0x28: {  	s2 =	sld [smem:$0x3FB0]  }
0x29: {  	s4 =	sld [smem:$0x3FB2]  }
0x2a: {  	p0 =	seq.s32 s5, $0x0;
	s5 =	sld [smem:$0x3FB3]  }
0x2b: {  	s6 =	sld [smem:$0x3FB4]  }
0x2c: {  	s7 =	sld [smem:$0x3FB5]  }
0x2d: {  	s3 =	simm.s32 $0x108;
	s8 =	sld [smem:$0x3FB6]  }
0x2e: {  	s3 =	simm.s32 @!p0 $0x1082;
	s9 =	sld [smem:$0x3FB7]  }
0x2f: {  	lr =	sadd.s32 s0, s3;
	s0 =	sld [smem:$0x3FAE]  }
0x30: {  	s3 =	sld [smem:$0x3FB1]  }
0x31: {  	[smem:$0x3FBA] =	sst s10  }
0x32: {  	s10 =	sld [smem:$0x3FB8];
	_ =	sdelay $0x3  }
0x33: {  	p0 =	seq.s32 s10, $0x1;
	s10 =	sld [smem:$0x3FBA];
	_ =	sdelay $0x3  }
0x34: {  	[smem:$0x3FBA] =	sst s10  }
0x35: {  	s10 =	sld [smem:$0x3FB9];
	_ =	sdelay $0x3  }
0x36: {  	p1 =	seq.s32 s10, $0x1;
	s10 =	sld [smem:$0x3FBA];
	_ =	sdelay $0x3  }
0x37: {  	[smem:$0x3FBA] =	sst s10  }
0x38: {  	s10 =	sld [smem:$0x3FBB]  }
0x39: {  	_ = 	snop;
	(pc) =	sbr.ind lr, $3  }
0x3a: {  	_ = 	snop  }
0x3b: {  	_ = 	snop  }
0x3c: {  	p2 =	seq.s32 s10, $0x1;
	s10 =	sld [smem:$0x3FBA]  }
0x3d: {  	_ =	shalt  }
0x3e: {  	_ =	shalt  }
0x3f: {  	_ =	shalt  }
0x40: {  	_ =	shalt  }
0x41: {  	_ =	shalt  }
0x42: {  	_ =	shalt  }
0x43: {  	_ =	shalt  }
0x44: {  	_ =	shalt  }
0x45: {  	_ =	shalt  }
0x46: {  	_ =	shalt  }
0x47: {  	_ =	shalt  }
0x48: {  	_ =	shalt  }
0x49: {  	_ =	shalt  }
0x4a: {  	_ =	shalt  }
0x4b: {  	_ =	shalt  }
0x4c: {  	_ =	shalt  }
0x4d: {  	_ =	shalt  }
0x4e: {  	_ =	shalt  }
0x4f: {  	_ =	shalt  }
0x50: {  	_ =	shalt  }
0x51: {  	_ =	shalt  }
0x52: {  	_ =	shalt  }
0x53: {  	_ =	shalt  }
0x54: {  	_ =	shalt  }
0x55: {  	_ =	shalt  }
0x56: {  	_ =	shalt  }
0x57: {  	_ =	shalt  }
0x58: {  	_ =	shalt  }
0x59: {  	_ =	shalt  }
0x5a: {  	_ =	shalt  }
0x5b: {  	_ =	shalt  }
0x5c: {  	_ =	shalt  }
0x5d: {  	_ =	shalt  }
0x5e: {  	_ =	shalt  }
0x5f: {  	_ =	shalt  }
0x60: {  	_ =	shalt  }
0x61: {  	_ =	shalt  }
0x62: {  	_ =	shalt  }
0x63: {  	_ =	shalt  }
0x64: {  	_ =	shalt  }
0x65: {  	_ =	shalt  }
0x66: {  	_ =	shalt  }
0x67: {  	_ =	shalt  }
0x68: {  	_ =	shalt  }
0x69: {  	_ =	shalt  }
0x6a: {  	_ =	shalt  }
0x6b: {  	_ =	shalt  }
0x6c: {  	_ =	shalt  }
0x6d: {  	_ =	shalt  }
0x6e: {  	_ =	shalt  }
0x6f: {  	_ =	shalt  }
0x70: {  	_ =	shalt  }
0x71: {  	_ =	shalt  }
0x72: {  	_ =	shalt  }
0x73: {  	_ =	shalt  }
0x74: {  	_ =	shalt  }
0x75: {  	_ =	shalt  }
0x76: {  	_ =	shalt  }
0x77: {  	_ =	shalt  }
0x78: {  	_ =	shalt  }
0x79: {  	_ =	shalt  }
0x7a: {  	_ =	shalt  }
0x7b: {  	_ =	shalt  }
0x7c: {  	_ =	shalt  }
0x7d: {  	_ =	shalt  }
0x7e: {  	_ =	shalt  }
0x7f: {  	_ =	shalt  }
0x80: {  	_ =	shalt  }
0x81: {  	_ =	shalt  }
0x82: {  	_ =	shalt  }
0x83: {  	_ =	shalt  }
0x84: {  	_ =	shalt  }
0x85: {  	_ =	shalt  }
0x86: {  	_ =	shalt  }
0x87: {  	_ =	shalt  }
.Lfunc_end0:
.L_simem_size_0:
called_computation_lowered:
.L_overlay_start_0:
0x88: {  	s2 =	sld [smem:$0x3FD9]  }
0x89: {  	s3 =	sld [smem:$0x3FFE];
	_ =	sdelay $0x1  }
0x8a: {  	s1 =	srdreg.scid  }
0x8b: {  	s0 =	sand.u32 $0x1, s1  }
0x8c: {  	s14 =	sshll.u32 s0, $0xA;
	s2 =	sadd.s32 s3, s2  }
0x8d: {  	s2 =	sadd.s32 s2, s14  }
0x8e: {  	[smem:$0x3FC6] =	sst s2  }
0x8f: {  	_ = 	snop  }
0x90: {  	s2 =	sld [smem:$0x3FD0];
	_ =	sdelay $0x2  }
0x91: {  	s15 =	simm.s32 $0xA;
	s4 =	simm.s32 $0x10  }
0x92: {  	[smem:s4], [sflag:s15] =	dma.local [hbm:s2], $0x1  }
0x93: {  	_ =	swait.eq [sflag:s15], $0x1  }
0x94: {  	[sflag:s15] =	ssyncset.done $0x0  }
0x95: {  	[sflag:s15] =	ssyncadd.s32 $0xFFFFFFFF  }
0x96: {  	s16 =	sld [smem:$0x10];
	(tm) =	ssettm $0x1  }
0x97: {  	s17 =	sld [smem:$0x3FFB];
	_ =	sdelay $0x3  }
0x98: {  	_ =	strace s17  }
0x99: {  	s3 =	sld [smem:$0x3FFC];
	_ =	sdelay $0x3  }
0x9a: {  	_ =	strace s3  }
0x9b: {  	s3 =	sld [smem:$0x3FFD];
	_ =	sdelay $0x3  }
0x9c: {  	_ =	strace s3  }
0x9d: {  	_ =	strace $0x8FFFFFFF  }
0x9e: {  	s18 =	sld [smem:$0x3FDB];
	_ =	sdelay $0x1  }
0x9f: {  	s19 =	simm.s32 $_scs_section_size  }
0xa0: {  	s5 =	simm.s32 $_size__tile_overlayer_lowered;
	s6 =	simm.s32 $_tile_overlayer_lowered  }
0xa1: {  	s22 =	simm.s32 $0x1BFF;
	s21 =	sshll.u32 s6, $0x1;
	s3 =	sadd.s32 s19, s18  }
0xa2: {  	s7 =	simm.s32 $0x0;
	s20 =	sshll.u32 s5, $0x1;
	s5 =	sadd.s32 s21, s3  }
0xa3: {  	[timem:s7], [sflag:s22] =	dma.local [hbm:s5], s20  }
0xa4: {  	_ =	swait.ge [sflag:s22], s20  }
0xa5: {  	s4 =	ssub.s32 $0x0, s20;
	[sflag:s22] =	ssyncset.done $0x0  }
0xa6: {  	[sflag:s22] =	ssyncadd.s32 s4;
	_ =	sdelay $0x1  }
0xa7: {  	s23 =	simm.s32 $0x1B8B  }
0xa8: {  	_ =	swait.ge [sflag:s23], $0x1  }
0xa9: {  	[sflag:s23] =	ssyncset.done $0x0  }
0xaa: {  	s25 =	simm.s32 $0x1B8E;
	s24 =	sld [smem:$0x3FFE];
	[sflag:s23] =	ssyncadd.s32 $0xFFFFFFFF  }
0xab: {  	s26 =	simm.s32 $execute0_lowered;
	[smem:$0x3FD2] =	sst s25  }
0xac: {  	s5 =	sshll.u32 s26, $0x1;
	_ =	strace $0x80000046;
	[dreg:$0x1] =	wrdreg $0xFFFFFFFF  }
0xad: {  	s28 =	simm.s32 $_size_execute0_lowered;
	s3 =	sadd.s32 s3, s5;
	[dreg:$0x0] =	wrdreg $0x0  }
0xae: {  	s5 =	sshll.u32 s28, $0x1;
	[dreg:$0x2] =	wrdreg s3  }
0xaf: {  	[dreg:$0x3] =	wrdreg s5  }
0xb0: {  	[dreg:$0x4] =	wrdreg $0xC0  }
0xb1: {  	_ =	task [dreg:s7], $0x5FFFF  }
0xb2: {  	[dreg:$0x1] =	wrdreg $0xFFFFFFFF  }
0xb3: {  	[dreg:$0x0] =	wrdreg $0x60  }
0xb4: {  	[dreg:$0x2] =	wrdreg s16  }
0xb5: {  	[dreg:$0x3] =	wrdreg s24  }
0xb6: {  	[dreg:$0x4] =	wrdreg $0x9  }
0xb7: {  	_ =	task.clear_ibuf [dreg:s7], $0x5FFFF;
	_ =	strace $0x90000046  }
0xb8: {  	s29 =	simm.s32 $0x9;
	_ =	strace $0x80000048  }
0xb9: {  	_ =	swait.ge [sflag:s29], $0x1  }
0xba: {  	[sflag:s29] =	ssyncadd.s32 $0xFFFFFFFF  }
0xbb: {  	_ =	strace $0x90000048  }
0xbc: {  	_ =	sfence  }
0xbd: {  	s30 =	sld [smem:$0x0];
	_ =	sdelay $0x2  }
0xbe: {  	s31 =	sshll.u32 s1, $0xD;
	s1 =	sshrl.u32 s1, $0x2  }
0xbf: {  	s3 =	sand.u32 $0x4000, s31;
	s1 =	sadd.s32 s1, s30  }
0xc0: {  	s0 =	sor.u32 s3, s0;
	s1 =	sshll.u32 s1, $0x11  }
0xc1: {  	s0 =	sor.u32 s1, s0  }
0xc2: {  	s0 =	sadd.s32 $0x8F2B, s0  }
0xc3: {  	[sflag:s0] =	ssyncadd.remote.s32 $0x1  }
0xc4: {  	_ =	sfence.sel $0xFFFF  }
0xc5: {  	[dreg:$0x0] =	wrdreg $0xFFFFFFFF;
	(pc) =	sbr.abs _section_cstart, $3  }
0xc6: {  	[dreg:$0x1] =	wrdreg $0xFFFFFFFF  }
0xc7: {  	_ =	task.clear_ibuf [dreg:s7], $0x2FFFF;
	_ =	strace $0x9FFFFFFF  }
0xc8: {  	(tm) =	ssettm $0x7FFFFFFF  }
0xc9: {  	_ =	shalt  }
tec
execute0_lowered:
.L_overlay_start_1:
0x0: {  	(tag) =	ssettag $0x1  }
0x1: {  	s1 =	srdreg.scid;
	s2 =	rddreg [dreg:$0x0]  }
0x2: {  	s0 =	stileid.u32;
	s5 =	rddreg [dreg:$0x1];
	s3 =	simm.s32 $0x0  }
0x3: {  	s8 =	simm.s32 $0x2;
	s4 =	sand.u32 $0x1, s1;
	s30 =	sshll.u32 s0, $0x1  }
0x4: {  	s9 =	simm.s32 $0x1;
	s10 =	simm.s32 $0x8100;
	s6 =	sor.u32 s4, s30  }
0x5: {  	s11 =	simm.s32 $0x0;
	s1 =	rddreg [dreg:$0x2];
	s7 =	smul.u32 $0x1C, s6  }
0x6: {  	[smem:$0x7FF] =	sst s3;
	s4 =	ssub.s32 $0x2, s4;
	s6 =	smul.u32 $0xE00, s6  }
0x7: {  	_ =	strace $0x80000047;
	s31 =	sshrl.u32 s4, $0x1;
	s7 =	sadd.s32 s7, s5  }
0x8: {  	v0 =	vlaneseq.u32;
	s5 =	sadd.s32 s6, s5;
	s6 =	ssub.s32 s4, s31;
	s4 =	sadd.s32 $0xE00, s7  }
0x9: {  	v1 =	vor.u32 $0x10, v0;
	s5 =	sadd.s32 $0x1200, s5;
	s6 =	smax.u32 s6, $0x1;
	s7 =	simm.s32 $0x100  }
.LBB2_1:
0xa: {  	[tilespmem:s7], [sflag:$0x1] =	stream.linear.gather [hbm4b:s2+s3], $0x8000, $0x38;
	[tilespmem:$0xF100] =	vst v63  }
0xb: {  	_ = 	snop  }
0xc: {  	[tilespmem:s3], [sflag:$0x2] =	stream.linear.gather [hbm4b:s4+s3], $0xE0, $0x38;
	[tilespmem:$0xF100] =	vst v63  }
0xd: {  	_ =	swait.ge [sflag:s8], $0xE0  }
0xe: {  	[sflag:s8] =	ssyncset.done $0x0  }
0xf: {  	[sflag:s8] =	ssyncadd.s32 $0xFFFFFF20  }
0x10: {  	_ =	swait.ge [sflag:s9], $0x8000  }
0x11: {  	[sflag:s9] =	ssyncset.done $0x0  }
0x12: {  	s12 =	simm.s32 $0x8300;
	s13 =	simm.s32 $0x0;
	[sflag:s9] =	ssyncadd.s32 $0xFFFF8000  }
.LBB2_2:
0x13: {  	v2 =	vmov s13  }
0x14: {  	v2 =	vand.u32 $0xFFFFFFF8, v2  }
0x15: {  	v2 =	vbroadcast v2, $0x0;
	_ =	sdelay $0x5  }
0x16: {  	v2 =	vld.idx.msk [tilespmem:v2+s3+$0x0], $0xffff;
	_ =	sdelay $0x4  }
0x17: {  	v2 =	vshll.u32 v2, $0x5  }
0x18: {  	v3 =	vor.u32 v0, v2;
	_ =	sdelay $0x4  }
0x19: {  	v3 =	vld.idx.msk [tilespmem:v3+s7+$0x0], $0xffff  }
0x1a: {  	v2 =	vor.u32 v1, v2;
	_ =	sdelay $0x1  }
0x1b: {  	s14 =	sadd.s32 $0x1, s13  }
0x1c: {  	v4 =	vmov s14  }
0x1d: {  	[tilespmem:s12+$0xFFFFFE00] =	vst v3;
	v3 =	vand.u32 $0xFFFFFFF9, v4  }
0x1e: {  	v2 =	vld.idx.msk [tilespmem:v2+s7+$0x0], $0xffff;
	v3 =	vbroadcast v3, $0x0;
	_ =	sdelay $0x4  }
0x1f: {  	[tilespmem:s12+$0xFFFFFE10] =	vst v2  }
0x20: {  	v2 =	vld.idx.msk [tilespmem:v3+s3+$0x0], $0xffff;
	_ =	sdelay $0x4  }
0x21: {  	v2 =	vshll.u32 v2, $0x5  }
0x22: {  	v3 =	vor.u32 v0, v2;
	_ =	sdelay $0x4  }
0x23: {  	v3 =	vld.idx.msk [tilespmem:v3+s7+$0x0], $0xffff  }
0x24: {  	v2 =	vor.u32 v1, v2;
	_ =	sdelay $0x1  }
0x25: {  	s25 =	sadd.s32 $0x2, s13  }
0x26: {  	v59 =	vmov s25  }
0x27: {  	[tilespmem:s12+$0xFFFFFE80] =	vst v3;
	v3 =	vand.u32 $0xFFFFFFFA, v59  }
0x28: {  	v2 =	vld.idx.msk [tilespmem:v2+s7+$0x0], $0xffff;
	v3 =	vbroadcast v3, $0x0;
	_ =	sdelay $0x4  }
0x29: {  	[tilespmem:s12+$0xFFFFFE90] =	vst v2  }
0x2a: {  	v2 =	vld.idx.msk [tilespmem:v3+s3+$0x0], $0xffff;
	_ =	sdelay $0x4  }
0x2b: {  	v2 =	vshll.u32 v2, $0x5  }
0x2c: {  	v3 =	vor.u32 v0, v2;
	_ =	sdelay $0x4  }
0x2d: {  	v3 =	vld.idx.msk [tilespmem:v3+s7+$0x0], $0xffff  }
0x2e: {  	v2 =	vor.u32 v1, v2;
	_ =	sdelay $0x1  }
0x2f: {  	s26 =	sadd.s32 $0x3, s13  }
0x30: {  	v60 =	vmov s26  }
0x31: {  	[tilespmem:s12+$0xFFFFFF00] =	vst v3;
	v3 =	vand.u32 $0xFFFFFFFB, v60  }
0x32: {  	v2 =	vld.idx.msk [tilespmem:v2+s7+$0x0], $0xffff;
	v3 =	vbroadcast v3, $0x0;
	_ =	sdelay $0x4  }
0x33: {  	[tilespmem:s12+$0xFFFFFF10] =	vst v2  }
0x34: {  	v2 =	vld.idx.msk [tilespmem:v3+s3+$0x0], $0xffff;
	_ =	sdelay $0x4  }
0x35: {  	v2 =	vshll.u32 v2, $0x5  }
0x36: {  	v3 =	vor.u32 v0, v2;
	_ =	sdelay $0x4  }
0x37: {  	v3 =	vld.idx.msk [tilespmem:v3+s7+$0x0], $0xffff  }
0x38: {  	v2 =	vor.u32 v1, v2;
	_ =	sdelay $0x1  }
0x39: {  	s28 =	sadd.s32 $0x4, s13  }
0x3a: {  	v61 =	vmov s28  }
0x3b: {  	[tilespmem:s12+$0xFFFFFF80] =	vst v3;
	v3 =	vand.u32 $0xFFFFFFFC, v61  }
0x3c: {  	v2 =	vld.idx.msk [tilespmem:v2+s7+$0x0], $0xffff;
	v3 =	vbroadcast v3, $0x0;
	_ =	sdelay $0x4  }
0x3d: {  	[tilespmem:s12+$0xFFFFFF90] =	vst v2  }
0x3e: {  	v2 =	vld.idx.msk [tilespmem:v3+s3+$0x0], $0xffff;
	_ =	sdelay $0x4  }
0x3f: {  	v2 =	vshll.u32 v2, $0x5  }
0x40: {  	v3 =	vor.u32 v0, v2;
	_ =	sdelay $0x4  }
0x41: {  	v3 =	vld.idx.msk [tilespmem:v3+s7+$0x0], $0xffff  }
0x42: {  	v2 =	vor.u32 v1, v2;
	_ =	sdelay $0x1  }
0x43: {  	s29 =	sadd.s32 $0x5, s13  }
0x44: {  	v62 =	vmov s29  }
0x45: {  	[tilespmem:s12+$0x0] =	vst v3;
	v3 =	vand.u32 $0xFFFFFFFD, v62  }
0x46: {  	v2 =	vld.idx.msk [tilespmem:v2+s7+$0x0], $0xffff;
	v3 =	vbroadcast v3, $0x0;
	_ =	sdelay $0x4  }
0x47: {  	[tilespmem:s12+$0x10] =	vst v2  }
0x48: {  	v2 =	vld.idx.msk [tilespmem:v3+s3+$0x0], $0xffff;
	_ =	sdelay $0x4  }
0x49: {  	v2 =	vshll.u32 v2, $0x5  }
0x4a: {  	v3 =	vor.u32 v0, v2;
	_ =	sdelay $0x4  }
0x4b: {  	v3 =	vld.idx.msk [tilespmem:v3+s7+$0x0], $0xffff  }
0x4c: {  	v2 =	vor.u32 v1, v2;
	_ =	sdelay $0x1  }
0x4d: {  	s30 =	sadd.s32 $0x6, s13  }
0x4e: {  	v63 =	vmov s30  }
0x4f: {  	[tilespmem:s12+$0x80] =	vst v3;
	v3 =	vand.u32 $0xFFFFFFFE, v63  }
0x50: {  	v2 =	vld.idx.msk [tilespmem:v2+s7+$0x0], $0xffff;
	v3 =	vbroadcast v3, $0x0;
	_ =	sdelay $0x4  }
0x51: {  	[tilespmem:s12+$0x90] =	vst v2  }
0x52: {  	v2 =	vld.idx.msk [tilespmem:v3+s3+$0x0], $0xffff;
	_ =	sdelay $0x4  }
0x53: {  	v2 =	vshll.u32 v2, $0x5  }
0x54: {  	v3 =	vor.u32 v0, v2;
	_ =	sdelay $0x4  }
0x55: {  	v3 =	vld.idx.msk [tilespmem:v3+s7+$0x0], $0xffff  }
0x56: {  	v2 =	vor.u32 v1, v2;
	_ =	sdelay $0x3  }
0x57: {  	[tilespmem:s12+$0x100] =	vst v3  }
0x58: {  	s31 =	sadd.s32 $0x7, s13;
	v2 =	vld.idx.msk [tilespmem:v2+s7+$0x0], $0xffff  }
0x59: {  	v3 =	vmov s31;
	_ =	sdelay $0x3  }
0x5a: {  	[tilespmem:s12+$0x110] =	vst v2  }
0x5b: {  	v2 =	vld.idx.msk [tilespmem:v3+s3+$0x0], $0xffff;
	_ =	sdelay $0x4  }
0x5c: {  	v2 =	vshll.u32 v2, $0x5  }
0x5d: {  	v3 =	vor.u32 v0, v2;
	_ =	sdelay $0x4  }
0x5e: {  	v3 =	vld.idx.msk [tilespmem:v3+s7+$0x0], $0xffff  }
0x5f: {  	v2 =	vor.u32 v1, v2;
	_ =	sdelay $0x3  }
0x60: {  	[tilespmem:s12+$0x180] =	vst v3  }
0x61: {  	p0 =	slt.u32 s13, $0xD8;
	v2 =	vld.idx.msk [tilespmem:v2+s7+$0x0], $0xffff  }
.Ltmp0:
0x62: {  	_ = 	snop;
	(pc) =	sbr.rel @p0 .LBB2_2-.Ltmp0, $2  }
0x63: {  	_ =	sdelay $0x2  }
0x64: {  	s13 =	sadd.s32 $0x8, s13;
	[tilespmem:s12+$0x190] =	vst v2;
	s12 =	sadd.s32 $0x400, s12  }
0x65: {  	s11 =	sadd.s32 $0x1, s11  }
0x66: {  	p0 =	sne.s32 s11, s6  }
.Ltmp1:
0x67: {  	_ = 	snop;
	(pc) =	sbr.rel @p0 .LBB2_1-.Ltmp1, $4  }
0x68: {  	[hbm4b:s5+s3] =	stream.linear.scatter [tilespmem:s10], [sflag:$0x2], $0x7000, $0x38;
	[tilespmem:$0xF100] =	vst v63  }
0x69: {  	_ =	swait.ge [sflag:s8], $0x7000  }
0x6a: {  	[sflag:s8] =	ssyncset.done $0x0  }
0x6b: {  	[sflag:s8] =	ssyncadd.s32 $0xFFFF9000  }
0x6c: {  	_ =	sfence.sel $0x180000  }
0x6d: {  	[bflag:$0x0] =	sbarrier.arrive $0xFFFF  }
0x6e: {  	p0 =	sne.s32 s0, $0x0;
	_ =	strace $0x90000047  }
0x6f: {  	s0 =	sadd.s32 @!p0 $0x100000, s1;
	[bflag:$0x2] =	sbarrier.arrive $0xFFFF  }
0x70: {  	[sflag:s0] =	ssyncadd.tile.s32 @!p0 $0x1;
	_ =	shalt  }
.Lfunc_end2:
_tile_overlayer_lowered:
.L_overlay_start_2:
0x71: {  	(tag) =	ssettag $0x2  }
0x72: {  	s0 =	rddreg [dreg:$0x0];
	s2 =	stileid.u32  }
0x73: {  	s1 =	rddreg [dreg:$0x1];
	p0 =	sne.s32 s2, $0x0  }
0x74: {  	s3 =	rddreg [dreg:$0x2];
	[bflag:$0x3] =	sbarrier.arrive $0xFFFF;
	s2 =	simm.s32 @!p0 $0x1C02  }
0x75: {  	[timem:s3], [sflag:s2] =	dma.local @!p0 [hbm:s0], s1  }
0x76: {  	s0 =	simm.s32 @!p0 $0x2  }
0x77: {  	_ =	swait.ge @!p0 [sflag:s0], s1  }
0x78: {  	s1 =	ssub.s32 @!p0 $0x0, s1;
	[sflag:s0] =	ssyncset.done @!p0 $0x0  }
0x79: {  	[sflag:s0] =	ssyncadd.s32 @!p0 s1  }
0x7a: {  	[bflag:$0x3] =	sbarrier.arrive $0xFFFF  }
0x7b: {  	_ =	shalt  }

</sc_bundles>
